<compile_context>
chip_gen: v7x
topology: tpu7x:2x2x1
jax: 0.10.2.dev20260603
libtpu: 0.0.44.dev20260713+nightly
codegen_flags: <defaults>
</compile_context>

<pallas_src>
import functools

import jax
import jax.numpy as jnp
from jax import lax
from jax.experimental import pallas as pl
from jax.experimental.pallas import tpu as pltpu
from jax.experimental.pallas import tpu_sc as plsc

_VOCAB = 1000000
_D = 64
_B = 16384
_NNEG = 5
_NW = 32
_G = 512
_BW = _B // _NW
_NZW = _B * _NNEG // _NW
_NG = (2 * _BW + _NZW) // _G
_NSLOT = 3

_mesh = plsc.VectorSubcoreMesh(core_axis_name="c", subcore_axis_name="s")


@functools.partial(
    pl.kernel,
    mesh=_mesh,
    compiler_params=pltpu.CompilerParams(use_tc_tiling_on_sc=False),
    out_type=(
        jax.ShapeDtypeStruct((_B, _D), jnp.float32),
        jax.ShapeDtypeStruct((_B, _D), jnp.float32),
        jax.ShapeDtypeStruct((_B * _NNEG, _D), jnp.float32),
    ),
    scratch_types=[
        pltpu.VMEM((_NG * _G,), jnp.int32),
        pltpu.VMEM((_G, _D), jnp.float32),
        pltpu.VMEM((_G, _D), jnp.float32),
        pltpu.VMEM((_G, _D), jnp.float32),
        pltpu.SemaphoreType.DMA,
        pltpu.SemaphoreType.DMA,
        pltpu.SemaphoreType.DMA,
        pltpu.SemaphoreType.DMA,
    ],
)
def _sgns(in_emb, out_emb, center, context, noise,
          o_center, o_context, o_noise,
          idx, buf0, buf1, buf2, sem_g, sem_o0, sem_o1, sem_o2):
    wid = lax.axis_index("s") * 2 + lax.axis_index("c")
    bufs = (buf0, buf1, buf2)
    sems_o = (sem_o0, sem_o1, sem_o2)

    pltpu.sync_copy(center.at[pl.ds(wid * _BW, _BW)], idx.at[pl.ds(0, _BW)])
    pltpu.sync_copy(context.at[pl.ds(wid * _BW, _BW)], idx.at[pl.ds(_BW, _BW)])
    pltpu.sync_copy(noise.at[pl.ds(wid * _NZW, _NZW)], idx.at[pl.ds(2 * _BW, _NZW)])

    tasks = (
        [(in_emb, o_center, wid * _BW)]
        + [(out_emb, o_context, wid * _BW)]
        + [(out_emb, o_noise, wid * _NZW + k * _G) for k in range(_NZW // _G)]
    )

    def fire_gather(g):
        table = tasks[g][0]
        return pltpu.async_copy(
            table.at[idx.at[pl.ds(g * _G, _G)]], bufs[g % _NSLOT], sem_g)

    def fire_out(g):
        _, out, base = tasks[g]
        return pltpu.async_copy(
            bufs[g % _NSLOT], out.at[pl.ds(base, _G)], sems_o[g % _NSLOT])

    gh = [None] * _NG
    oh = [None] * _NG
    for g in range(_NG):
        if g >= _NSLOT:
            oh[g - _NSLOT].wait()
        gh[g] = fire_gather(g)
        if g >= 1:
            gh[g - 1].wait()
            oh[g - 1] = fire_out(g - 1)
    gh[_NG - 1].wait()
    oh[_NG - 1] = fire_out(_NG - 1)
    for g in range(_NG - _NSLOT, _NG):
        oh[g].wait()


def kernel(input_embeddings, output_embeddings, center_words, context_words, noise_words):
    center1d = center_words.astype(jnp.int32)
    context1d = context_words.astype(jnp.int32)
    noise1d = noise_words.astype(jnp.int32).reshape(_B * _NNEG)
    o_center, o_context, o_noise = _sgns(
        input_embeddings, output_embeddings, center1d, context1d, noise1d)
    return (o_center, o_context, o_noise.reshape(_B, _NNEG, _D))

# --- scband reference (transcript-rebuilt; emitter-appended) ---
"""Pipeline reference for scband-skip-gram-negative-sampling-45311904973490 (READ-ONLY COPY).

The authoritative reference and input builder live on the scoring server;
editing this copy changes nothing except your own understanding.
"""

import jax, jax.numpy as jnp
import numpy as np

VOCAB_SIZE = 1000000
EMBED_SIZE = 64
BATCH = 16384
N_NEG = 5


def setup_inputs(seed: int = 0) -> dict:
    key = jax.random.key(seed)
    k1, k2, k3, k4, k5 = jax.random.split(key, 5)
    center_words = jax.random.randint(k1, (BATCH,), 0, VOCAB_SIZE)
    context_words = jax.random.randint(k2, (BATCH,), 0, VOCAB_SIZE)
    noise_words = jax.random.randint(k3, (BATCH, N_NEG), 0, VOCAB_SIZE)
    # Parameters: nn.Embedding weights initialized uniform(-1, 1) as in the module.
    input_embeddings = jax.random.uniform(k4, (VOCAB_SIZE, EMBED_SIZE), minval=-1.0, maxval=1.0, dtype=jnp.float32)
    output_embeddings = jax.random.uniform(k5, (VOCAB_SIZE, EMBED_SIZE), minval=-1.0, maxval=1.0, dtype=jnp.float32)
    return {
        'input_embeddings': input_embeddings,
        'output_embeddings': output_embeddings,
        'center_words': center_words,
        'context_words': context_words,
        'noise_words': noise_words,
    }


def reference(input_embeddings, output_embeddings, center_words, context_words, noise_words):
    # forward_input: input_embeddings(center_words)
    input_vectors = jnp.take(input_embeddings, center_words, axis=0)
    # forward_output: output_embeddings(context_words)
    output_vectors = jnp.take(output_embeddings, context_words, axis=0)
    # forward_noise: output_embeddings(noise_words)
    noise_vectors = jnp.take(output_embeddings, noise_words, axis=0)
    return (input_vectors, output_vectors, noise_vectors)

if __name__ == "__main__":
    import jax
    _d = setup_inputs()
    print(jax.jit(kernel)(*tuple(_d.values())))

</pallas_src>

<mosaic_0001>
#map = affine_map<(d0, d1) -> (0, 0)>
#map1 = affine_map<(d0, d1) -> (0)>
module attributes {stable_mosaic.version = 14 : i64} {
  func.func @_sgns(%arg0: i32, %arg1: i32, %arg2: memref<1000000x64xf32, #tpu.memory_space<hbm>>, %arg3: memref<1000000x64xf32, #tpu.memory_space<hbm>>, %arg4: memref<16384xi32, #tpu.memory_space<hbm>>, %arg5: memref<16384xi32, #tpu.memory_space<hbm>>, %arg6: memref<81920xi32, #tpu.memory_space<hbm>>, %arg7: memref<16384x64xf32, #tpu.memory_space<hbm>>, %arg8: memref<16384x64xf32, #tpu.memory_space<hbm>>, %arg9: memref<81920x64xf32, #tpu.memory_space<hbm>>, %arg10: memref<3584xi32, #tpu.memory_space<vmem>>, %arg11: memref<512x64xf32, #tpu.memory_space<vmem>>, %arg12: memref<512x64xf32, #tpu.memory_space<vmem>>, %arg13: memref<512x64xf32, #tpu.memory_space<vmem>>, %arg14: memref<!tpu.dma_semaphore, #tpu.memory_space<semaphore_mem>>, %arg15: memref<!tpu.dma_semaphore, #tpu.memory_space<semaphore_mem>>, %arg16: memref<!tpu.dma_semaphore, #tpu.memory_space<semaphore_mem>>, %arg17: memref<!tpu.dma_semaphore, #tpu.memory_space<semaphore_mem>>) attributes {dimension_semantics = [#tpu.dimension_semantics<core_parallel>, #tpu.dimension_semantics<subcore_parallel>], iteration_bounds = array<i64: 2, 16>, scalar_prefetch = 0 : i64, scratch_operands = 8 : i64, tpu.core_type = #tpu.core_type<sc_vector_subcore>, window_params = [{transform_indices = #map}, {transform_indices = #map}, {transform_indices = #map1}, {transform_indices = #map1}, {transform_indices = #map1}, {transform_indices = #map}, {transform_indices = #map}, {transform_indices = #map}]} {
    %mul3A = arith.constant 2 : i32
    %mul3A_0 = arith.muli %arg1, %mul3A : i32
    %add3A = arith.addi %mul3A_0, %arg0 : i32
    %mul3A_1 = arith.constant 512 : i32
    %mul3A_2 = arith.muli %add3A, %mul3A_1 : i32
    "tpu.region"() ({
      %run_scoped3A = tpu.sem_alloc : memref<!tpu.dma_semaphore, #tpu.memory_space<semaphore_mem>>
      %dma_start3A_155 = arith.constant 0 : i32
      %dma_start3A_156 = tpu.memref_slice %arg10[%dma_start3A_155] : memref<3584xi32, #tpu.memory_space<vmem>> -> memref<512xi32, #tpu.memory_space<vmem>>
      %dma_start3A_157 = tpu.memref_slice %arg4[%mul3A_2] : memref<16384xi32, #tpu.memory_space<hbm>> -> memref<512xi32, #tpu.memory_space<hbm>>
      %dma_start3A_158 = arith.constant 0 : i32
      %dma_start3A_159 = tpu.memref_slice %arg10[%dma_start3A_158] : memref<3584xi32, #tpu.memory_space<vmem>> -> memref<512xi32, #tpu.memory_space<vmem>>
      %dma_start3A_160 = tpu.memref_slice %arg4[%mul3A_2] : memref<16384xi32, #tpu.memory_space<hbm>> -> memref<512xi32, #tpu.memory_space<hbm>>
      tpu.enqueue_dma source(%dma_start3A_160 : memref<512xi32, #tpu.memory_space<hbm>>) target(%dma_start3A_159 : memref<512xi32, #tpu.memory_space<vmem>>) target_semaphore(%run_scoped3A : memref<!tpu.dma_semaphore, #tpu.memory_space<semaphore_mem>>)
      %dma_wait3A_161 = arith.constant 0 : i32
      %dma_wait3A_162 = tpu.memref_slice %arg10[%dma_wait3A_161] : memref<3584xi32, #tpu.memory_space<vmem>> -> memref<512xi32, #tpu.memory_space<vmem>>
      %dma_wait3A_163 = tpu.memref_slice %arg4[%mul3A_2] : memref<16384xi32, #tpu.memory_space<hbm>> -> memref<512xi32, #tpu.memory_space<hbm>>
      %dma_wait3A_164 = arith.constant 0 : i32
      %dma_wait3A_165 = tpu.memref_slice %arg10[%dma_wait3A_164] : memref<3584xi32, #tpu.memory_space<vmem>> -> memref<512xi32, #tpu.memory_space<vmem>>
      %dma_wait3A_166 = tpu.memref_slice %arg4[%mul3A_2] : memref<16384xi32, #tpu.memory_space<hbm>> -> memref<512xi32, #tpu.memory_space<hbm>>
      tpu.wait_dma2 semaphore(%run_scoped3A : memref<!tpu.dma_semaphore, #tpu.memory_space<semaphore_mem>>) src(%dma_wait3A_166 : memref<512xi32, #tpu.memory_space<hbm>>) dst(%dma_wait3A_165 : memref<512xi32, #tpu.memory_space<vmem>>)
      tpu.yield
    }) : () -> ()
    %mul3A_3 = arith.constant 512 : i32
    %mul3A_4 = arith.muli %add3A, %mul3A_3 : i32
    "tpu.region"() ({
      %run_scoped3A = tpu.sem_alloc : memref<!tpu.dma_semaphore, #tpu.memory_space<semaphore_mem>>
      %dma_start3A_155 = arith.constant 512 : i32
      %dma_start3A_156 = tpu.memref_slice %arg10[%dma_start3A_155] : memref<3584xi32, #tpu.memory_space<vmem>> -> memref<512xi32, #tpu.memory_space<vmem>>
      %dma_start3A_157 = tpu.memref_slice %arg5[%mul3A_4] : memref<16384xi32, #tpu.memory_space<hbm>> -> memref<512xi32, #tpu.memory_space<hbm>>
      %dma_start3A_158 = arith.constant 512 : i32
      %dma_start3A_159 = tpu.memref_slice %arg10[%dma_start3A_158] : memref<3584xi32, #tpu.memory_space<vmem>> -> memref<512xi32, #tpu.memory_space<vmem>>
      %dma_start3A_160 = tpu.memref_slice %arg5[%mul3A_4] : memref<16384xi32, #tpu.memory_space<hbm>> -> memref<512xi32, #tpu.memory_space<hbm>>
      tpu.enqueue_dma source(%dma_start3A_160 : memref<512xi32, #tpu.memory_space<hbm>>) target(%dma_start3A_159 : memref<512xi32, #tpu.memory_space<vmem>>) target_semaphore(%run_scoped3A : memref<!tpu.dma_semaphore, #tpu.memory_space<semaphore_mem>>)
      %dma_wait3A_161 = arith.constant 512 : i32
      %dma_wait3A_162 = tpu.memref_slice %arg10[%dma_wait3A_161] : memref<3584xi32, #tpu.memory_space<vmem>> -> memref<512xi32, #tpu.memory_space<vmem>>
      %dma_wait3A_163 = tpu.memref_slice %arg5[%mul3A_4] : memref<16384xi32, #tpu.memory_space<hbm>> -> memref<512xi32, #tpu.memory_space<hbm>>
      %dma_wait3A_164 = arith.constant 512 : i32
      %dma_wait3A_165 = tpu.memref_slice %arg10[%dma_wait3A_164] : memref<3584xi32, #tpu.memory_space<vmem>> -> memref<512xi32, #tpu.memory_space<vmem>>
      %dma_wait3A_166 = tpu.memref_slice %arg5[%mul3A_4] : memref<16384xi32, #tpu.memory_space<hbm>> -> memref<512xi32, #tpu.memory_space<hbm>>
      tpu.wait_dma2 semaphore(%run_scoped3A : memref<!tpu.dma_semaphore, #tpu.memory_space<semaphore_mem>>) src(%dma_wait3A_166 : memref<512xi32, #tpu.memory_space<hbm>>) dst(%dma_wait3A_165 : memref<512xi32, #tpu.memory_space<vmem>>)
      tpu.yield
    }) : () -> ()
    %mul3A_5 = arith.constant 2560 : i32
    %mul3A_6 = arith.muli %add3A, %mul3A_5 : i32
    "tpu.region"() ({
      %run_scoped3A = tpu.sem_alloc : memref<!tpu.dma_semaphore, #tpu.memory_space<semaphore_mem>>
      %dma_start3A_155 = arith.constant 1024 : i32
      %dma_start3A_156 = tpu.memref_slice %arg10[%dma_start3A_155] : memref<3584xi32, #tpu.memory_space<vmem>> -> memref<2560xi32, #tpu.memory_space<vmem>>
      %dma_start3A_157 = tpu.memref_slice %arg6[%mul3A_6] : memref<81920xi32, #tpu.memory_space<hbm>> -> memref<2560xi32, #tpu.memory_space<hbm>>
      %dma_start3A_158 = arith.constant 1024 : i32
      %dma_start3A_159 = tpu.memref_slice %arg10[%dma_start3A_158] : memref<3584xi32, #tpu.memory_space<vmem>> -> memref<2560xi32, #tpu.memory_space<vmem>>
      %dma_start3A_160 = tpu.memref_slice %arg6[%mul3A_6] : memref<81920xi32, #tpu.memory_space<hbm>> -> memref<2560xi32, #tpu.memory_space<hbm>>
      tpu.enqueue_dma source(%dma_start3A_160 : memref<2560xi32, #tpu.memory_space<hbm>>) target(%dma_start3A_159 : memref<2560xi32, #tpu.memory_space<vmem>>) target_semaphore(%run_scoped3A : memref<!tpu.dma_semaphore, #tpu.memory_space<semaphore_mem>>)
      %dma_wait3A_161 = arith.constant 1024 : i32
      %dma_wait3A_162 = tpu.memref_slice %arg10[%dma_wait3A_161] : memref<3584xi32, #tpu.memory_space<vmem>> -> memref<2560xi32, #tpu.memory_space<vmem>>
      %dma_wait3A_163 = tpu.memref_slice %arg6[%mul3A_6] : memref<81920xi32, #tpu.memory_space<hbm>> -> memref<2560xi32, #tpu.memory_space<hbm>>
      %dma_wait3A_164 = arith.constant 1024 : i32
      %dma_wait3A_165 = tpu.memref_slice %arg10[%dma_wait3A_164] : memref<3584xi32, #tpu.memory_space<vmem>> -> memref<2560xi32, #tpu.memory_space<vmem>>
      %dma_wait3A_166 = tpu.memref_slice %arg6[%mul3A_6] : memref<81920xi32, #tpu.memory_space<hbm>> -> memref<2560xi32, #tpu.memory_space<hbm>>
      tpu.wait_dma2 semaphore(%run_scoped3A : memref<!tpu.dma_semaphore, #tpu.memory_space<semaphore_mem>>) src(%dma_wait3A_166 : memref<2560xi32, #tpu.memory_space<hbm>>) dst(%dma_wait3A_165 : memref<2560xi32, #tpu.memory_space<vmem>>)
      tpu.yield
    }) : () -> ()
    %mul3A_7 = arith.constant 512 : i32
    %mul3A_8 = arith.muli %add3A, %mul3A_7 : i32
    %mul3A_9 = arith.constant 512 : i32
    %mul3A_10 = arith.muli %add3A, %mul3A_9 : i32
    %mul3A_11 = arith.constant 2560 : i32
    %mul3A_12 = arith.muli %add3A, %mul3A_11 : i32
    %add3A_13 = arith.constant 0 : i32
    %add3A_14 = arith.addi %mul3A_12, %add3A_13 : i32
    %mul3A_15 = arith.constant 2560 : i32
    %mul3A_16 = arith.muli %add3A, %mul3A_15 : i32
    %add3A_17 = arith.constant 512 : i32
    %add3A_18 = arith.addi %mul3A_16, %add3A_17 : i32
    %mul3A_19 = arith.constant 2560 : i32
    %mul3A_20 = arith.muli %add3A, %mul3A_19 : i32
    %add3A_21 = arith.constant 1024 : i32
    %add3A_22 = arith.addi %mul3A_20, %add3A_21 : i32
    %mul3A_23 = arith.constant 2560 : i32
    %mul3A_24 = arith.muli %add3A, %mul3A_23 : i32
    %add3A_25 = arith.constant 1536 : i32
    %add3A_26 = arith.addi %mul3A_24, %add3A_25 : i32
    %mul3A_27 = arith.constant 2560 : i32
    %mul3A_28 = arith.muli %add3A, %mul3A_27 : i32
    %add3A_29 = arith.constant 2048 : i32
    %add3A_30 = arith.addi %mul3A_28, %add3A_29 : i32
    %dma_start3A = arith.constant 0 : i32
    %dma_start3A_31 = tpu.memref_slice %arg10[%dma_start3A] : memref<3584xi32, #tpu.memory_space<vmem>> -> memref<512xi32, #tpu.memory_space<vmem>>
    %dma_start3A_32 = arith.constant 0 : i32
    %dma_start3A_33 = arith.constant 0 : i32
    %dma_start3A_34 = tpu.memref_slice %arg2[%dma_start3A_32, %dma_start3A_33] : memref<1000000x64xf32, #tpu.memory_space<hbm>> -> memref<1000000x64xf32, #tpu.memory_space<hbm>>
    tpu.enqueue_indirect_dma source(%dma_start3A_34 : memref<1000000x64xf32, #tpu.memory_space<hbm>>) target(%arg11 : memref<512x64xf32, #tpu.memory_space<vmem>>) offsets(%dma_start3A_31 : memref<512xi32, #tpu.memory_space<vmem>>) semaphore(%arg14 : memref<!tpu.dma_semaphore, #tpu.memory_space<semaphore_mem>>)
    %dma_start3A_35 = arith.constant 512 : i32
    %dma_start3A_36 = tpu.memref_slice %arg10[%dma_start3A_35] : memref<3584xi32, #tpu.memory_space<vmem>> -> memref<512xi32, #tpu.memory_space<vmem>>
    %dma_start3A_37 = arith.constant 0 : i32
    %dma_start3A_38 = arith.constant 0 : i32
    %dma_start3A_39 = tpu.memref_slice %arg3[%dma_start3A_37, %dma_start3A_38] : memref<1000000x64xf32, #tpu.memory_space<hbm>> -> memref<1000000x64xf32, #tpu.memory_space<hbm>>
    tpu.enqueue_indirect_dma source(%dma_start3A_39 : memref<1000000x64xf32, #tpu.memory_space<hbm>>) target(%arg12 : memref<512x64xf32, #tpu.memory_space<vmem>>) offsets(%dma_start3A_36 : memref<512xi32, #tpu.memory_space<vmem>>) semaphore(%arg14 : memref<!tpu.dma_semaphore, #tpu.memory_space<semaphore_mem>>)
    %dma_wait3A = arith.constant 0 : i32
    %dma_wait3A_40 = tpu.memref_slice %arg10[%dma_wait3A] : memref<3584xi32, #tpu.memory_space<vmem>> -> memref<512xi32, #tpu.memory_space<vmem>>
    %dma_wait3A_41 = arith.constant 0 : i32
    %dma_wait3A_42 = arith.constant 0 : i32
    %dma_wait3A_43 = tpu.memref_slice %arg2[%dma_wait3A_41, %dma_wait3A_42] : memref<1000000x64xf32, #tpu.memory_space<hbm>> -> memref<1000000x64xf32, #tpu.memory_space<hbm>>
    tpu.wait_indirect_dma semaphore(%arg14 : memref<!tpu.dma_semaphore, #tpu.memory_space<semaphore_mem>>) src(%dma_wait3A_43 : memref<1000000x64xf32, #tpu.memory_space<hbm>>) dst(%arg11 : memref<512x64xf32, #tpu.memory_space<vmem>>)
    %dma_start3A_44 = arith.constant 0 : i32
    %dma_start3A_45 = tpu.memref_slice %arg7[%mul3A_8, %dma_start3A_44] : memref<16384x64xf32, #tpu.memory_space<hbm>> -> memref<512x64xf32, #tpu.memory_space<hbm>>
    %dma_start3A_46 = arith.constant 0 : i32
    %dma_start3A_47 = tpu.memref_slice %arg7[%mul3A_8, %dma_start3A_46] : memref<16384x64xf32, #tpu.memory_space<hbm>> -> memref<512x64xf32, #tpu.memory_space<hbm>>
    tpu.enqueue_dma source(%arg11 : memref<512x64xf32, #tpu.memory_space<vmem>>) target(%dma_start3A_47 : memref<512x64xf32, #tpu.memory_space<hbm>>) target_semaphore(%arg15 : memref<!tpu.dma_semaphore, #tpu.memory_space<semaphore_mem>>)
    %dma_start3A_48 = arith.constant 1024 : i32
    %dma_start3A_49 = tpu.memref_slice %arg10[%dma_start3A_48] : memref<3584xi32, #tpu.memory_space<vmem>> -> memref<512xi32, #tpu.memory_space<vmem>>
    %dma_start3A_50 = arith.constant 0 : i32
    %dma_start3A_51 = arith.constant 0 : i32
    %dma_start3A_52 = tpu.memref_slice %arg3[%dma_start3A_50, %dma_start3A_51] : memref<1000000x64xf32, #tpu.memory_space<hbm>> -> memref<1000000x64xf32, #tpu.memory_space<hbm>>
    tpu.enqueue_indirect_dma source(%dma_start3A_52 : memref<1000000x64xf32, #tpu.memory_space<hbm>>) target(%arg13 : memref<512x64xf32, #tpu.memory_space<vmem>>) offsets(%dma_start3A_49 : memref<512xi32, #tpu.memory_space<vmem>>) semaphore(%arg14 : memref<!tpu.dma_semaphore, #tpu.memory_space<semaphore_mem>>)
    %dma_wait3A_53 = arith.constant 512 : i32
    %dma_wait3A_54 = tpu.memref_slice %arg10[%dma_wait3A_53] : memref<3584xi32, #tpu.memory_space<vmem>> -> memref<512xi32, #tpu.memory_space<vmem>>
    %dma_wait3A_55 = arith.constant 0 : i32
    %dma_wait3A_56 = arith.constant 0 : i32
    %dma_wait3A_57 = tpu.memref_slice %arg3[%dma_wait3A_55, %dma_wait3A_56] : memref<1000000x64xf32, #tpu.memory_space<hbm>> -> memref<1000000x64xf32, #tpu.memory_space<hbm>>
    tpu.wait_indirect_dma semaphore(%arg14 : memref<!tpu.dma_semaphore, #tpu.memory_space<semaphore_mem>>) src(%dma_wait3A_57 : memref<1000000x64xf32, #tpu.memory_space<hbm>>) dst(%arg12 : memref<512x64xf32, #tpu.memory_space<vmem>>)
    %dma_start3A_58 = arith.constant 0 : i32
    %dma_start3A_59 = tpu.memref_slice %arg8[%mul3A_10, %dma_start3A_58] : memref<16384x64xf32, #tpu.memory_space<hbm>> -> memref<512x64xf32, #tpu.memory_space<hbm>>
    %dma_start3A_60 = arith.constant 0 : i32
    %dma_start3A_61 = tpu.memref_slice %arg8[%mul3A_10, %dma_start3A_60] : memref<16384x64xf32, #tpu.memory_space<hbm>> -> memref<512x64xf32, #tpu.memory_space<hbm>>
    tpu.enqueue_dma source(%arg12 : memref<512x64xf32, #tpu.memory_space<vmem>>) target(%dma_start3A_61 : memref<512x64xf32, #tpu.memory_space<hbm>>) target_semaphore(%arg16 : memref<!tpu.dma_semaphore, #tpu.memory_space<semaphore_mem>>)
    %dma_wait3A_62 = arith.constant 0 : i32
    %dma_wait3A_63 = tpu.memref_slice %arg7[%mul3A_8, %dma_wait3A_62] : memref<16384x64xf32, #tpu.memory_space<hbm>> -> memref<512x64xf32, #tpu.memory_space<hbm>>
    %dma_wait3A_64 = arith.constant 0 : i32
    %dma_wait3A_65 = tpu.memref_slice %arg7[%mul3A_8, %dma_wait3A_64] : memref<16384x64xf32, #tpu.memory_space<hbm>> -> memref<512x64xf32, #tpu.memory_space<hbm>>
    tpu.wait_dma2 semaphore(%arg15 : memref<!tpu.dma_semaphore, #tpu.memory_space<semaphore_mem>>) src(%arg11 : memref<512x64xf32, #tpu.memory_space<vmem>>) dst(%dma_wait3A_65 : memref<512x64xf32, #tpu.memory_space<hbm>>)
    %dma_start3A_66 = arith.constant 1536 : i32
    %dma_start3A_67 = tpu.memref_slice %arg10[%dma_start3A_66] : memref<3584xi32, #tpu.memory_space<vmem>> -> memref<512xi32, #tpu.memory_space<vmem>>
    %dma_start3A_68 = arith.constant 0 : i32
    %dma_start3A_69 = arith.constant 0 : i32
    %dma_start3A_70 = tpu.memref_slice %arg3[%dma_start3A_68, %dma_start3A_69] : memref<1000000x64xf32, #tpu.memory_space<hbm>> -> memref<1000000x64xf32, #tpu.memory_space<hbm>>
    tpu.enqueue_indirect_dma source(%dma_start3A_70 : memref<1000000x64xf32, #tpu.memory_space<hbm>>) target(%arg11 : memref<512x64xf32, #tpu.memory_space<vmem>>) offsets(%dma_start3A_67 : memref<512xi32, #tpu.memory_space<vmem>>) semaphore(%arg14 : memref<!tpu.dma_semaphore, #tpu.memory_space<semaphore_mem>>)
    %dma_wait3A_71 = arith.constant 1024 : i32
    %dma_wait3A_72 = tpu.memref_slice %arg10[%dma_wait3A_71] : memref<3584xi32, #tpu.memory_space<vmem>> -> memref<512xi32, #tpu.memory_space<vmem>>
    %dma_wait3A_73 = arith.constant 0 : i32
    %dma_wait3A_74 = arith.constant 0 : i32
    %dma_wait3A_75 = tpu.memref_slice %arg3[%dma_wait3A_73, %dma_wait3A_74] : memref<1000000x64xf32, #tpu.memory_space<hbm>> -> memref<1000000x64xf32, #tpu.memory_space<hbm>>
    tpu.wait_indirect_dma semaphore(%arg14 : memref<!tpu.dma_semaphore, #tpu.memory_space<semaphore_mem>>) src(%dma_wait3A_75 : memref<1000000x64xf32, #tpu.memory_space<hbm>>) dst(%arg13 : memref<512x64xf32, #tpu.memory_space<vmem>>)
    %dma_start3A_76 = arith.constant 0 : i32
    %dma_start3A_77 = tpu.memref_slice %arg9[%add3A_14, %dma_start3A_76] : memref<81920x64xf32, #tpu.memory_space<hbm>> -> memref<512x64xf32, #tpu.memory_space<hbm>>
    %dma_start3A_78 = arith.constant 0 : i32
    %dma_start3A_79 = tpu.memref_slice %arg9[%add3A_14, %dma_start3A_78] : memref<81920x64xf32, #tpu.memory_space<hbm>> -> memref<512x64xf32, #tpu.memory_space<hbm>>
    tpu.enqueue_dma source(%arg13 : memref<512x64xf32, #tpu.memory_space<vmem>>) target(%dma_start3A_79 : memref<512x64xf32, #tpu.memory_space<hbm>>) target_semaphore(%arg17 : memref<!tpu.dma_semaphore, #tpu.memory_space<semaphore_mem>>)
    %dma_wait3A_80 = arith.constant 0 : i32
    %dma_wait3A_81 = tpu.memref_slice %arg8[%mul3A_10, %dma_wait3A_80] : memref<16384x64xf32, #tpu.memory_space<hbm>> -> memref<512x64xf32, #tpu.memory_space<hbm>>
    %dma_wait3A_82 = arith.constant 0 : i32
    %dma_wait3A_83 = tpu.memref_slice %arg8[%mul3A_10, %dma_wait3A_82] : memref<16384x64xf32, #tpu.memory_space<hbm>> -> memref<512x64xf32, #tpu.memory_space<hbm>>
    tpu.wait_dma2 semaphore(%arg16 : memref<!tpu.dma_semaphore, #tpu.memory_space<semaphore_mem>>) src(%arg12 : memref<512x64xf32, #tpu.memory_space<vmem>>) dst(%dma_wait3A_83 : memref<512x64xf32, #tpu.memory_space<hbm>>)
    %dma_start3A_84 = arith.constant 2048 : i32
    %dma_start3A_85 = tpu.memref_slice %arg10[%dma_start3A_84] : memref<3584xi32, #tpu.memory_space<vmem>> -> memref<512xi32, #tpu.memory_space<vmem>>
    %dma_start3A_86 = arith.constant 0 : i32
    %dma_start3A_87 = arith.constant 0 : i32
    %dma_start3A_88 = tpu.memref_slice %arg3[%dma_start3A_86, %dma_start3A_87] : memref<1000000x64xf32, #tpu.memory_space<hbm>> -> memref<1000000x64xf32, #tpu.memory_space<hbm>>
    tpu.enqueue_indirect_dma source(%dma_start3A_88 : memref<1000000x64xf32, #tpu.memory_space<hbm>>) target(%arg12 : memref<512x64xf32, #tpu.memory_space<vmem>>) offsets(%dma_start3A_85 : memref<512xi32, #tpu.memory_space<vmem>>) semaphore(%arg14 : memref<!tpu.dma_semaphore, #tpu.memory_space<semaphore_mem>>)
    %dma_wait3A_89 = arith.constant 1536 : i32
    %dma_wait3A_90 = tpu.memref_slice %arg10[%dma_wait3A_89] : memref<3584xi32, #tpu.memory_space<vmem>> -> memref<512xi32, #tpu.memory_space<vmem>>
    %dma_wait3A_91 = arith.constant 0 : i32
    %dma_wait3A_92 = arith.constant 0 : i32
    %dma_wait3A_93 = tpu.memref_slice %arg3[%dma_wait3A_91, %dma_wait3A_92] : memref<1000000x64xf32, #tpu.memory_space<hbm>> -> memref<1000000x64xf32, #tpu.memory_space<hbm>>
    tpu.wait_indirect_dma semaphore(%arg14 : memref<!tpu.dma_semaphore, #tpu.memory_space<semaphore_mem>>) src(%dma_wait3A_93 : memref<1000000x64xf32, #tpu.memory_space<hbm>>) dst(%arg11 : memref<512x64xf32, #tpu.memory_space<vmem>>)
    %dma_start3A_94 = arith.constant 0 : i32
    %dma_start3A_95 = tpu.memref_slice %arg9[%add3A_18, %dma_start3A_94] : memref<81920x64xf32, #tpu.memory_space<hbm>> -> memref<512x64xf32, #tpu.memory_space<hbm>>
    %dma_start3A_96 = arith.constant 0 : i32
    %dma_start3A_97 = tpu.memref_slice %arg9[%add3A_18, %dma_start3A_96] : memref<81920x64xf32, #tpu.memory_space<hbm>> -> memref<512x64xf32, #tpu.memory_space<hbm>>
    tpu.enqueue_dma source(%arg11 : memref<512x64xf32, #tpu.memory_space<vmem>>) target(%dma_start3A_97 : memref<512x64xf32, #tpu.memory_space<hbm>>) target_semaphore(%arg15 : memref<!tpu.dma_semaphore, #tpu.memory_space<semaphore_mem>>)
    %dma_wait3A_98 = arith.constant 0 : i32
    %dma_wait3A_99 = tpu.memref_slice %arg9[%add3A_14, %dma_wait3A_98] : memref<81920x64xf32, #tpu.memory_space<hbm>> -> memref<512x64xf32, #tpu.memory_space<hbm>>
    %dma_wait3A_100 = arith.constant 0 : i32
    %dma_wait3A_101 = tpu.memref_slice %arg9[%add3A_14, %dma_wait3A_100] : memref<81920x64xf32, #tpu.memory_space<hbm>> -> memref<512x64xf32, #tpu.memory_space<hbm>>
    tpu.wait_dma2 semaphore(%arg17 : memref<!tpu.dma_semaphore, #tpu.memory_space<semaphore_mem>>) src(%arg13 : memref<512x64xf32, #tpu.memory_space<vmem>>) dst(%dma_wait3A_101 : memref<512x64xf32, #tpu.memory_space<hbm>>)
    %dma_start3A_102 = arith.constant 2560 : i32
    %dma_start3A_103 = tpu.memref_slice %arg10[%dma_start3A_102] : memref<3584xi32, #tpu.memory_space<vmem>> -> memref<512xi32, #tpu.memory_space<vmem>>
    %dma_start3A_104 = arith.constant 0 : i32
    %dma_start3A_105 = arith.constant 0 : i32
    %dma_start3A_106 = tpu.memref_slice %arg3[%dma_start3A_104, %dma_start3A_105] : memref<1000000x64xf32, #tpu.memory_space<hbm>> -> memref<1000000x64xf32, #tpu.memory_space<hbm>>
    tpu.enqueue_indirect_dma source(%dma_start3A_106 : memref<1000000x64xf32, #tpu.memory_space<hbm>>) target(%arg13 : memref<512x64xf32, #tpu.memory_space<vmem>>) offsets(%dma_start3A_103 : memref<512xi32, #tpu.memory_space<vmem>>) semaphore(%arg14 : memref<!tpu.dma_semaphore, #tpu.memory_space<semaphore_mem>>)
    %dma_wait3A_107 = arith.constant 2048 : i32
    %dma_wait3A_108 = tpu.memref_slice %arg10[%dma_wait3A_107] : memref<3584xi32, #tpu.memory_space<vmem>> -> memref<512xi32, #tpu.memory_space<vmem>>
    %dma_wait3A_109 = arith.constant 0 : i32
    %dma_wait3A_110 = arith.constant 0 : i32
    %dma_wait3A_111 = tpu.memref_slice %arg3[%dma_wait3A_109, %dma_wait3A_110] : memref<1000000x64xf32, #tpu.memory_space<hbm>> -> memref<1000000x64xf32, #tpu.memory_space<hbm>>
    tpu.wait_indirect_dma semaphore(%arg14 : memref<!tpu.dma_semaphore, #tpu.memory_space<semaphore_mem>>) src(%dma_wait3A_111 : memref<1000000x64xf32, #tpu.memory_space<hbm>>) dst(%arg12 : memref<512x64xf32, #tpu.memory_space<vmem>>)
    %dma_start3A_112 = arith.constant 0 : i32
    %dma_start3A_113 = tpu.memref_slice %arg9[%add3A_22, %dma_start3A_112] : memref<81920x64xf32, #tpu.memory_space<hbm>> -> memref<512x64xf32, #tpu.memory_space<hbm>>
    %dma_start3A_114 = arith.constant 0 : i32
    %dma_start3A_115 = tpu.memref_slice %arg9[%add3A_22, %dma_start3A_114] : memref<81920x64xf32, #tpu.memory_space<hbm>> -> memref<512x64xf32, #tpu.memory_space<hbm>>
    tpu.enqueue_dma source(%arg12 : memref<512x64xf32, #tpu.memory_space<vmem>>) target(%dma_start3A_115 : memref<512x64xf32, #tpu.memory_space<hbm>>) target_semaphore(%arg16 : memref<!tpu.dma_semaphore, #tpu.memory_space<semaphore_mem>>)
    %dma_wait3A_116 = arith.constant 0 : i32
    %dma_wait3A_117 = tpu.memref_slice %arg9[%add3A_18, %dma_wait3A_116] : memref<81920x64xf32, #tpu.memory_space<hbm>> -> memref<512x64xf32, #tpu.memory_space<hbm>>
    %dma_wait3A_118 = arith.constant 0 : i32
    %dma_wait3A_119 = tpu.memref_slice %arg9[%add3A_18, %dma_wait3A_118] : memref<81920x64xf32, #tpu.memory_space<hbm>> -> memref<512x64xf32, #tpu.memory_space<hbm>>
    tpu.wait_dma2 semaphore(%arg15 : memref<!tpu.dma_semaphore, #tpu.memory_space<semaphore_mem>>) src(%arg11 : memref<512x64xf32, #tpu.memory_space<vmem>>) dst(%dma_wait3A_119 : memref<512x64xf32, #tpu.memory_space<hbm>>)
    %dma_start3A_120 = arith.constant 3072 : i32
    %dma_start3A_121 = tpu.memref_slice %arg10[%dma_start3A_120] : memref<3584xi32, #tpu.memory_space<vmem>> -> memref<512xi32, #tpu.memory_space<vmem>>
    %dma_start3A_122 = arith.constant 0 : i32
    %dma_start3A_123 = arith.constant 0 : i32
    %dma_start3A_124 = tpu.memref_slice %arg3[%dma_start3A_122, %dma_start3A_123] : memref<1000000x64xf32, #tpu.memory_space<hbm>> -> memref<1000000x64xf32, #tpu.memory_space<hbm>>
    tpu.enqueue_indirect_dma source(%dma_start3A_124 : memref<1000000x64xf32, #tpu.memory_space<hbm>>) target(%arg11 : memref<512x64xf32, #tpu.memory_space<vmem>>) offsets(%dma_start3A_121 : memref<512xi32, #tpu.memory_space<vmem>>) semaphore(%arg14 : memref<!tpu.dma_semaphore, #tpu.memory_space<semaphore_mem>>)
    %dma_wait3A_125 = arith.constant 2560 : i32
    %dma_wait3A_126 = tpu.memref_slice %arg10[%dma_wait3A_125] : memref<3584xi32, #tpu.memory_space<vmem>> -> memref<512xi32, #tpu.memory_space<vmem>>
    %dma_wait3A_127 = arith.constant 0 : i32
    %dma_wait3A_128 = arith.constant 0 : i32
    %dma_wait3A_129 = tpu.memref_slice %arg3[%dma_wait3A_127, %dma_wait3A_128] : memref<1000000x64xf32, #tpu.memory_space<hbm>> -> memref<1000000x64xf32, #tpu.memory_space<hbm>>
    tpu.wait_indirect_dma semaphore(%arg14 : memref<!tpu.dma_semaphore, #tpu.memory_space<semaphore_mem>>) src(%dma_wait3A_129 : memref<1000000x64xf32, #tpu.memory_space<hbm>>) dst(%arg13 : memref<512x64xf32, #tpu.memory_space<vmem>>)
    %dma_start3A_130 = arith.constant 0 : i32
    %dma_start3A_131 = tpu.memref_slice %arg9[%add3A_26, %dma_start3A_130] : memref<81920x64xf32, #tpu.memory_space<hbm>> -> memref<512x64xf32, #tpu.memory_space<hbm>>
    %dma_start3A_132 = arith.constant 0 : i32
    %dma_start3A_133 = tpu.memref_slice %arg9[%add3A_26, %dma_start3A_132] : memref<81920x64xf32, #tpu.memory_space<hbm>> -> memref<512x64xf32, #tpu.memory_space<hbm>>
    tpu.enqueue_dma source(%arg13 : memref<512x64xf32, #tpu.memory_space<vmem>>) target(%dma_start3A_133 : memref<512x64xf32, #tpu.memory_space<hbm>>) target_semaphore(%arg17 : memref<!tpu.dma_semaphore, #tpu.memory_space<semaphore_mem>>)
    %dma_wait3A_134 = arith.constant 3072 : i32
    %dma_wait3A_135 = tpu.memref_slice %arg10[%dma_wait3A_134] : memref<3584xi32, #tpu.memory_space<vmem>> -> memref<512xi32, #tpu.memory_space<vmem>>
    %dma_wait3A_136 = arith.constant 0 : i32
    %dma_wait3A_137 = arith.constant 0 : i32
    %dma_wait3A_138 = tpu.memref_slice %arg3[%dma_wait3A_136, %dma_wait3A_137] : memref<1000000x64xf32, #tpu.memory_space<hbm>> -> memref<1000000x64xf32, #tpu.memory_space<hbm>>
    tpu.wait_indirect_dma semaphore(%arg14 : memref<!tpu.dma_semaphore, #tpu.memory_space<semaphore_mem>>) src(%dma_wait3A_138 : memref<1000000x64xf32, #tpu.memory_space<hbm>>) dst(%arg11 : memref<512x64xf32, #tpu.memory_space<vmem>>)
    %dma_start3A_139 = arith.constant 0 : i32
    %dma_start3A_140 = tpu.memref_slice %arg9[%add3A_30, %dma_start3A_139] : memref<81920x64xf32, #tpu.memory_space<hbm>> -> memref<512x64xf32, #tpu.memory_space<hbm>>
    %dma_start3A_141 = arith.constant 0 : i32
    %dma_start3A_142 = tpu.memref_slice %arg9[%add3A_30, %dma_start3A_141] : memref<81920x64xf32, #tpu.memory_space<hbm>> -> memref<512x64xf32, #tpu.memory_space<hbm>>
    tpu.enqueue_dma source(%arg11 : memref<512x64xf32, #tpu.memory_space<vmem>>) target(%dma_start3A_142 : memref<512x64xf32, #tpu.memory_space<hbm>>) target_semaphore(%arg15 : memref<!tpu.dma_semaphore, #tpu.memory_space<semaphore_mem>>)
    %dma_wait3A_143 = arith.constant 0 : i32
    %dma_wait3A_144 = tpu.memref_slice %arg9[%add3A_22, %dma_wait3A_143] : memref<81920x64xf32, #tpu.memory_space<hbm>> -> memref<512x64xf32, #tpu.memory_space<hbm>>
    %dma_wait3A_145 = arith.constant 0 : i32
    %dma_wait3A_146 = tpu.memref_slice %arg9[%add3A_22, %dma_wait3A_145] : memref<81920x64xf32, #tpu.memory_space<hbm>> -> memref<512x64xf32, #tpu.memory_space<hbm>>
    tpu.wait_dma2 semaphore(%arg16 : memref<!tpu.dma_semaphore, #tpu.memory_space<semaphore_mem>>) src(%arg12 : memref<512x64xf32, #tpu.memory_space<vmem>>) dst(%dma_wait3A_146 : memref<512x64xf32, #tpu.memory_space<hbm>>)
    %dma_wait3A_147 = arith.constant 0 : i32
    %dma_wait3A_148 = tpu.memref_slice %arg9[%add3A_26, %dma_wait3A_147] : memref<81920x64xf32, #tpu.memory_space<hbm>> -> memref<512x64xf32, #tpu.memory_space<hbm>>
    %dma_wait3A_149 = arith.constant 0 : i32
    %dma_wait3A_150 = tpu.memref_slice %arg9[%add3A_26, %dma_wait3A_149] : memref<81920x64xf32, #tpu.memory_space<hbm>> -> memref<512x64xf32, #tpu.memory_space<hbm>>
    tpu.wait_dma2 semaphore(%arg17 : memref<!tpu.dma_semaphore, #tpu.memory_space<semaphore_mem>>) src(%arg13 : memref<512x64xf32, #tpu.memory_space<vmem>>) dst(%dma_wait3A_150 : memref<512x64xf32, #tpu.memory_space<hbm>>)
    %dma_wait3A_151 = arith.constant 0 : i32
    %dma_wait3A_152 = tpu.memref_slice %arg9[%add3A_30, %dma_wait3A_151] : memref<81920x64xf32, #tpu.memory_space<hbm>> -> memref<512x64xf32, #tpu.memory_space<hbm>>
    %dma_wait3A_153 = arith.constant 0 : i32
    %dma_wait3A_154 = tpu.memref_slice %arg9[%add3A_30, %dma_wait3A_153] : memref<81920x64xf32, #tpu.memory_space<hbm>> -> memref<512x64xf32, #tpu.memory_space<hbm>>
    tpu.wait_dma2 semaphore(%arg15 : memref<!tpu.dma_semaphore, #tpu.memory_space<semaphore_mem>>) src(%arg11 : memref<512x64xf32, #tpu.memory_space<vmem>>) dst(%dma_wait3A_154 : memref<512x64xf32, #tpu.memory_space<hbm>>)
    return
  }
}

</mosaic_0001>

<sc_bundles>
// kernel: kernel.3.cloned.1.call-start
scs
__scs_entry_jumppad:
0x0: {  	(pc) =	sbr.rel $0x88, $3  }
0x1: {  	(tag) =	ssettag $0x0;
	lr =	simm.s32 $0x1  }
0x2: {  	[smem:$0x3F9C] =	sst lr;
	_ =	strace $0xD0000000  }
0x3: {  	_ = 	snop  }
0x4: {  	_ = 	snop  }
0x5: {  	_ = 	snop  }
0x6: {  	_ = 	snop  }
0x7: {  	_ = 	snop  }
__scs_overlays_trampoline_lowered:
0x8: {  	[smem:$0x3FAB] =	sst s0  }
0x9: {  	[smem:$0x3FAC] =	sst s1  }
0xa: {  	[smem:$0x3FAD] =	sst s2  }
0xb: {  	[smem:$0x3FAE] =	sst s3  }
0xc: {  	[smem:$0x3FAF] =	sst s4  }
0xd: {  	[smem:$0x3FB0] =	sst s5  }
0xe: {  	[smem:$0x3FB1] =	sst s6  }
0xf: {  	[smem:$0x3FB2] =	sst s7  }
0x10: {  	[smem:$0x3FB3] =	sst s8  }
0x11: {  	[smem:$0x3FB4] =	sst s9;
	s0 =	simm.s32 @!p0 $0x0  }
0x12: {  	s1 =	sld [smem:$0x3F9A];
	s0 =	simm.s32 @p0 $0x1  }
0x13: {  	[smem:$0x3FB5] =	sst s0;
	s0 =	simm.s32 @!p1 $0x0  }
0x14: {  	s2 =	sld [smem:$0x3F99];
	s0 =	simm.s32 @p1 $0x1  }
0x15: {  	[smem:$0x3FB6] =	sst s0;
	s0 =	simm.s32 @!p2 $0x0  }
0x16: {  	s3 =	sld [smem:$0x3FDB];
	s0 =	simm.s32 @p2 $0x1  }
0x17: {  	s4 =	simm.s32 $0x1BF5;
	[smem:$0x3FB8] =	sst s0  }
0x18: {  	s0 =	sld [smem:$0x3F9B];
	_ =	swait.ge [sflag:s4], $0x0  }
0x19: {  	s7 =	sld [smem:$0x3F9C]  }
0x1a: {  	s8 =	sadd.s32 $0xFFFFE003, lr  }
0x1b: {  	s9 =	sadd.s32 $0xFFFFFEF7, lr;
	s5 =	simm.s32 $0xFFFFFFFF;
	p2 =	slt.u32 s8, $0xFFFFF086  }
0x1c: {  	p1 =	slt.u32 s9, $0xF7A;
	s5 =	simm.s32 @!p2 $0x0  }
0x1d: {  	s5 =	simm.s32 @p1 $0x1;
	p0 =	seq.s32 s7, s2  }
0x1e: {  	s7 =	smul.u32 @!p0 $0xF7A, s2;
	p2 =	seq.s32 @!p0 s5, $0x0  }
0x1f: {  	s9 =	smul.u32 $0xF7A, s1;
	s8 =	simm.s32 @!p0 $0x1BF5;
	p2 =	por !p2, p0  }
0x20: {  	[sflag:s8] =	ssyncset.s32 @!p0 $0xFFFFF086;
	s6 =	sadd.s32 @!p0 s3, s7;
	s7 =	simm.s32 @!p0 $0x108  }
0x21: {  	s3 =	sadd.s32 s3, s9;
	s6 =	sadd.s32 @!p0 $0x88, s6;
	s7 =	simm.s32 @p2 $0x1082  }
0x22: {  	[simem:s7], [sflag:s8] =	dma.local @!p0 [hbm:s6], $0xF7A  }
0x23: {  	s9 =	sor.u32 $0xD0000000, s2;
	s6 =	simm.s32 $0x108;
	_ =	swait.ge @!p0 [sflag:s8], $0x0  }
0x24: {  	s3 =	sadd.s32 $0x88, s3;
	s6 =	simm.s32 @!p1 $0x1082;
	[sflag:s4] =	ssyncset.s32 $0xFFFFF086  }
0x25: {  	[simem:s6], [sflag:s4] =	dma.local [hbm:s3], $0xF7A  }
0x26: {  	[smem:$0x3F9C] =	sst s1;
	(tag) =	ssettag s2;
	_ =	strace s9  }
0x27: {  	s1 =	sld [smem:$0x3FAC]  }
0x28: {  	s2 =	sld [smem:$0x3FAD]  }
0x29: {  	s4 =	sld [smem:$0x3FAF]  }
0x2a: {  	p0 =	seq.s32 s5, $0x0;
	s5 =	sld [smem:$0x3FB0]  }
0x2b: {  	s6 =	sld [smem:$0x3FB1]  }
0x2c: {  	s7 =	sld [smem:$0x3FB2]  }
0x2d: {  	s3 =	simm.s32 $0x108;
	s8 =	sld [smem:$0x3FB3]  }
0x2e: {  	s3 =	simm.s32 @!p0 $0x1082;
	s9 =	sld [smem:$0x3FB4]  }
0x2f: {  	lr =	sadd.s32 s0, s3;
	s0 =	sld [smem:$0x3FAB]  }
0x30: {  	s3 =	sld [smem:$0x3FAE]  }
0x31: {  	[smem:$0x3FB7] =	sst s10  }
0x32: {  	s10 =	sld [smem:$0x3FB5];
	_ =	sdelay $0x3  }
0x33: {  	p0 =	seq.s32 s10, $0x1;
	s10 =	sld [smem:$0x3FB7];
	_ =	sdelay $0x3  }
0x34: {  	[smem:$0x3FB7] =	sst s10  }
0x35: {  	s10 =	sld [smem:$0x3FB6];
	_ =	sdelay $0x3  }
0x36: {  	p1 =	seq.s32 s10, $0x1;
	s10 =	sld [smem:$0x3FB7];
	_ =	sdelay $0x3  }
0x37: {  	[smem:$0x3FB7] =	sst s10  }
0x38: {  	s10 =	sld [smem:$0x3FB8]  }
0x39: {  	_ = 	snop;
	(pc) =	sbr.ind lr, $3  }
0x3a: {  	_ = 	snop  }
0x3b: {  	_ = 	snop  }
0x3c: {  	p2 =	seq.s32 s10, $0x1;
	s10 =	sld [smem:$0x3FB7]  }
0x3d: {  	_ =	shalt  }
0x3e: {  	_ =	shalt  }
0x3f: {  	_ =	shalt  }
0x40: {  	_ =	shalt  }
0x41: {  	_ =	shalt  }
0x42: {  	_ =	shalt  }
0x43: {  	_ =	shalt  }
0x44: {  	_ =	shalt  }
0x45: {  	_ =	shalt  }
0x46: {  	_ =	shalt  }
0x47: {  	_ =	shalt  }
0x48: {  	_ =	shalt  }
0x49: {  	_ =	shalt  }
0x4a: {  	_ =	shalt  }
0x4b: {  	_ =	shalt  }
0x4c: {  	_ =	shalt  }
0x4d: {  	_ =	shalt  }
0x4e: {  	_ =	shalt  }
0x4f: {  	_ =	shalt  }
0x50: {  	_ =	shalt  }
0x51: {  	_ =	shalt  }
0x52: {  	_ =	shalt  }
0x53: {  	_ =	shalt  }
0x54: {  	_ =	shalt  }
0x55: {  	_ =	shalt  }
0x56: {  	_ =	shalt  }
0x57: {  	_ =	shalt  }
0x58: {  	_ =	shalt  }
0x59: {  	_ =	shalt  }
0x5a: {  	_ =	shalt  }
0x5b: {  	_ =	shalt  }
0x5c: {  	_ =	shalt  }
0x5d: {  	_ =	shalt  }
0x5e: {  	_ =	shalt  }
0x5f: {  	_ =	shalt  }
0x60: {  	_ =	shalt  }
0x61: {  	_ =	shalt  }
0x62: {  	_ =	shalt  }
0x63: {  	_ =	shalt  }
0x64: {  	_ =	shalt  }
0x65: {  	_ =	shalt  }
0x66: {  	_ =	shalt  }
0x67: {  	_ =	shalt  }
0x68: {  	_ =	shalt  }
0x69: {  	_ =	shalt  }
0x6a: {  	_ =	shalt  }
0x6b: {  	_ =	shalt  }
0x6c: {  	_ =	shalt  }
0x6d: {  	_ =	shalt  }
0x6e: {  	_ =	shalt  }
0x6f: {  	_ =	shalt  }
0x70: {  	_ =	shalt  }
0x71: {  	_ =	shalt  }
0x72: {  	_ =	shalt  }
0x73: {  	_ =	shalt  }
0x74: {  	_ =	shalt  }
0x75: {  	_ =	shalt  }
0x76: {  	_ =	shalt  }
0x77: {  	_ =	shalt  }
0x78: {  	_ =	shalt  }
0x79: {  	_ =	shalt  }
0x7a: {  	_ =	shalt  }
0x7b: {  	_ =	shalt  }
0x7c: {  	_ =	shalt  }
0x7d: {  	_ =	shalt  }
0x7e: {  	_ =	shalt  }
0x7f: {  	_ =	shalt  }
0x80: {  	_ =	shalt  }
0x81: {  	_ =	shalt  }
0x82: {  	_ =	shalt  }
0x83: {  	_ =	shalt  }
0x84: {  	_ =	shalt  }
0x85: {  	_ =	shalt  }
0x86: {  	_ =	shalt  }
0x87: {  	_ =	shalt  }
.Lfunc_end0:
.L_simem_size_0:
called_computation_lowered:
.L_overlay_start_0:
0x88: {  	s2 =	sld [smem:$0x3FD9]  }
0x89: {  	s3 =	sld [smem:$0x3FFE];
	_ =	sdelay $0x1  }
0x8a: {  	s1 =	srdreg.scid  }
0x8b: {  	s0 =	sand.u32 $0x1, s1  }
0x8c: {  	s14 =	sshll.u32 s0, $0xA;
	s2 =	sadd.s32 s3, s2  }
0x8d: {  	s2 =	sadd.s32 s2, s14  }
0x8e: {  	[smem:$0x3FC3] =	sst s2  }
0x8f: {  	_ = 	snop  }
0x90: {  	s2 =	sld [smem:$0x3FD0];
	_ =	sdelay $0x1  }
0x91: {  	s15 =	sld [smem:$0x3FC7]  }
0x92: {  	s5 =	simm.s32 $0xA;
	s6 =	simm.s32 $0x10;
	s4 =	sld [smem:$0x3FC6]  }
0x93: {  	[smem:s6], [sflag:s5] =	dma.local [hbm:s2], $0x1  }
0x94: {  	_ =	swait.eq [sflag:s5], $0x1  }
0x95: {  	s16 =	sld [smem:$0x10];
	[sflag:s5] =	ssyncset.done $0x0  }
0x96: {  	s17 =	sld [smem:$0x11];
	[sflag:s5] =	ssyncadd.s32 $0xFFFFFFFF  }
0x97: {  	s18 =	sld [smem:$0x12];
	(tm) =	ssettm $0x1  }
0x98: {  	s7 =	sld [smem:$0x3FFB];
	_ =	sdelay $0x3  }
0x99: {  	_ =	strace s7  }
0x9a: {  	s7 =	sld [smem:$0x3FFC];
	_ =	sdelay $0x3  }
0x9b: {  	_ =	strace s7  }
0x9c: {  	s7 =	sld [smem:$0x3FFD];
	_ =	sdelay $0x3  }
0x9d: {  	_ =	strace s7  }
0x9e: {  	_ =	strace $0x8FFFFFFF  }
0x9f: {  	s19 =	sld [smem:$0x3FDB];
	_ =	sdelay $0x1  }
0xa0: {  	s8 =	simm.s32 $_scs_section_size  }
0xa1: {  	s9 =	simm.s32 $_size__tile_overlayer_lowered;
	s10 =	simm.s32 $_tile_overlayer_lowered  }
0xa2: {  	s22 =	simm.s32 $0x1BFF;
	s21 =	sshll.u32 s10, $0x1;
	s7 =	sadd.s32 s8, s19  }
0xa3: {  	s11 =	simm.s32 $0x0;
	s20 =	sshll.u32 s9, $0x1;
	s9 =	sadd.s32 s21, s7  }
0xa4: {  	[timem:s11], [sflag:s22] =	dma.local [hbm:s9], s20  }
0xa5: {  	_ =	swait.ge [sflag:s22], s20  }
0xa6: {  	s8 =	ssub.s32 $0x0, s20;
	[sflag:s22] =	ssyncset.done $0x0  }
0xa7: {  	[sflag:s22] =	ssyncadd.s32 s8;
	_ =	sdelay $0x1  }
0xa8: {  	s23 =	simm.s32 $0x1B8B  }
0xa9: {  	_ =	swait.ge [sflag:s23], $0x1  }
0xaa: {  	[sflag:s23] =	ssyncset.done $0x0  }
0xab: {  	s25 =	simm.s32 $0x1B8E;
	s24 =	sld [smem:$0x3FFE];
	[sflag:s23] =	ssyncadd.s32 $0xFFFFFFFF  }
0xac: {  	s26 =	simm.s32 $execute0_lowered;
	[smem:$0x3FD2] =	sst s25  }
0xad: {  	s9 =	sshll.u32 s26, $0x1;
	_ =	strace $0x80000046;
	[dreg:$0x1] =	wrdreg $0xFFFFFFFF  }
0xae: {  	s28 =	simm.s32 $_size_execute0_lowered;
	s7 =	sadd.s32 s7, s9;
	[dreg:$0x0] =	wrdreg $0x0  }
0xaf: {  	s9 =	sshll.u32 s28, $0x1;
	[dreg:$0x2] =	wrdreg s7  }
0xb0: {  	[dreg:$0x3] =	wrdreg s9  }
0xb1: {  	[dreg:$0x4] =	wrdreg $0xC0  }
0xb2: {  	_ =	task [dreg:s11], $0x5FFFF  }
0xb3: {  	[dreg:$0x1] =	wrdreg $0xFFFFFFFF  }
0xb4: {  	[dreg:$0x0] =	wrdreg $0x60  }
0xb5: {  	[dreg:$0x2] =	wrdreg s24  }
0xb6: {  	[dreg:$0x3] =	wrdreg s15  }
0xb7: {  	[dreg:$0x4] =	wrdreg s4  }
0xb8: {  	[dreg:$0x5] =	wrdreg s16  }
0xb9: {  	[dreg:$0x6] =	wrdreg s17  }
0xba: {  	[dreg:$0x7] =	wrdreg s18  }
0xbb: {  	[dreg:$0x8] =	wrdreg $0x9  }
0xbc: {  	_ =	task.clear_ibuf [dreg:s11], $0x9FFFF;
	_ =	strace $0x90000046  }
0xbd: {  	s29 =	simm.s32 $0x9;
	_ =	strace $0x80000048  }
0xbe: {  	_ =	swait.ge [sflag:s29], $0x1  }
0xbf: {  	[sflag:s29] =	ssyncadd.s32 $0xFFFFFFFF  }
0xc0: {  	_ =	strace $0x90000048  }
0xc1: {  	_ =	sfence  }
0xc2: {  	s30 =	sld [smem:$0x0];
	_ =	sdelay $0x2  }
0xc3: {  	s31 =	sshll.u32 s1, $0xD;
	s1 =	sshrl.u32 s1, $0x2  }
0xc4: {  	s3 =	sand.u32 $0x4000, s31;
	s1 =	sadd.s32 s1, s30  }
0xc5: {  	s0 =	sor.u32 s3, s0;
	s1 =	sshll.u32 s1, $0x11  }
0xc6: {  	s0 =	sor.u32 s1, s0  }
0xc7: {  	s0 =	sadd.s32 $0x8F2B, s0  }
0xc8: {  	[sflag:s0] =	ssyncadd.remote.s32 $0x1  }
0xc9: {  	_ =	sfence.sel $0xFFFF  }
0xca: {  	[dreg:$0x0] =	wrdreg $0xFFFFFFFF;
	(pc) =	sbr.abs _section_cstart, $3  }
0xcb: {  	[dreg:$0x1] =	wrdreg $0xFFFFFFFF  }
0xcc: {  	_ =	task.clear_ibuf [dreg:s11], $0x2FFFF;
	_ =	strace $0x9FFFFFFF  }
0xcd: {  	(tm) =	ssettm $0x7FFFFFFF  }
tec
execute0_lowered:
.L_overlay_start_1:
0x0: {  	(tag) =	ssettag $0x1  }
0x1: {  	s16 =	rddreg [dreg:$0x0]  }
0x2: {  	s3 =	rddreg [dreg:$0x1]  }
0x3: {  	s5 =	rddreg [dreg:$0x2]  }
0x4: {  	s7 =	rddreg [dreg:$0x3]  }
0x5: {  	s14 =	rddreg [dreg:$0x4]  }
0x6: {  	s1 =	srdreg.scid;
	s0 =	stileid.u32  }
0x7: {  	s22 =	rddreg [dreg:$0x5];
	s30 =	sand.u32 $0x1, s1;
	s4 =	sshll.u32 s0, $0x1  }
0x8: {  	s2 =	simm.s32 $0x0;
	s1 =	rddreg [dreg:$0x6];
	s21 =	sor.u32 s30, s4  }
0x9: {  	[smem:$0x7FF] =	sst s2;
	s6 =	sshll.u32 s21, $0x6  }
0xa: {  	_ =	strace $0x80000047;
	s4 =	simm.s32 $0x5;
	s3 =	sadd.s32 s3, s6  }
0xb: {  	[tilespmem:s2], [sflag:$0x5] =	stream.linear.gather [hbm4b:s3+s2], $0x200, $0x38;
	[tilespmem:$0x18E00] =	vst v63  }
0xc: {  	_ =	swait.ge [sflag:s4], $0x200  }
0xd: {  	[sflag:s4] =	ssyncset.done $0x0  }
0xe: {  	s5 =	sadd.s32 s5, s6;
	s6 =	simm.s32 $0x200;
	[sflag:s4] =	ssyncadd.s32 $0xFFFFFE00  }
0xf: {  	[tilespmem:s6], [sflag:$0x5] =	stream.linear.gather [hbm4b:s5+s2], $0x200, $0x38;
	[tilespmem:$0x18E00] =	vst v63  }
0x10: {  	s8 =	smul.u32 $0x140, s21;
	_ =	swait.ge [sflag:s4], $0x200  }
0x11: {  	[sflag:s4] =	ssyncset.done $0x0  }
0x12: {  	s7 =	sadd.s32 s7, s8;
	s8 =	simm.s32 $0x400;
	[sflag:s4] =	ssyncadd.s32 $0xFFFFFE00  }
0x13: {  	[tilespmem:s8], [sflag:$0x5] =	stream.linear.gather [hbm4b:s7+s2], $0xA00, $0x38;
	[tilespmem:$0x18E00] =	vst v63  }
0x14: {  	_ =	swait.ge [sflag:s4], $0xA00  }
0x15: {  	[sflag:s4] =	ssyncset.done $0x0  }
0x16: {  	s10 =	simm.s32 $0xE00;
	s9 =	sadd.s32 $0x16E4400, s16;
	[sflag:s4] =	ssyncadd.s32 $0xFFFFF600  }
0x17: {  	[tilespmem:s10], [sflag:$0x1] =	stream.indirect.gather [hbm4b:s9+s6], $0x40, s2, s6, $0xb8;
	[tilespmem:$0x18E00] =	vst v63  }
0x18: {  	s12 =	simm.s32 $0x8E00;
	s13 =	simm.s32 $0x1;
	s11 =	sadd.s32 $0xF43200, s16  }
0x19: {  	[tilespmem:s12], [sflag:$0x1] =	stream.indirect.gather [hbm4b:s11+s6], $0x40, s6, s6, $0xb8;
	[tilespmem:$0x18E00] =	vst v63  }
0x1a: {  	_ =	swait.ge [sflag:s13], $0x8000  }
0x1b: {  	s17 =	sshll.u32 s21, $0xC;
	[sflag:s13] =	ssyncset.done $0x0  }
0x1c: {  	s14 =	sadd.s32 s14, s17;
	[sflag:s13] =	ssyncadd.s32 $0xFFFF8000  }
0x1d: {  	[hbm4b:s14+s2] =	stream.linear.scatter [tilespmem:s10], [sflag:$0x2], $0x8000, $0x38;
	[tilespmem:$0x18E00] =	vst v63  }
0x1e: {  	s15 =	simm.s32 $0x10E00  }
0x1f: {  	[tilespmem:s15], [sflag:$0x1] =	stream.indirect.gather [hbm4b:s11+s6], $0x40, s8, s6, $0xb8;
	[tilespmem:$0x18E00] =	vst v63  }
0x20: {  	_ =	swait.ge [sflag:s13], $0x8000  }
0x21: {  	s16 =	sadd.s32 s17, s16;
	[sflag:s13] =	ssyncset.done $0x0  }
0x22: {  	s17 =	sadd.s32 $0xE00, s16;
	s16 =	simm.s32 $0x2;
	[sflag:s13] =	ssyncadd.s32 $0xFFFF8000  }
0x23: {  	[hbm4b:s17+s2] =	stream.linear.scatter [tilespmem:s12], [sflag:$0x3], $0x8000, $0x38;
	[tilespmem:$0x18E00] =	vst v63  }
0x24: {  	_ =	swait.ge [sflag:s16], $0x8000  }
0x25: {  	[sflag:s16] =	ssyncset.done $0x0  }
0x26: {  	s18 =	simm.s32 $0x600;
	[sflag:s16] =	ssyncadd.s32 $0xFFFF8000  }
0x27: {  	[tilespmem:s10], [sflag:$0x1] =	stream.indirect.gather [hbm4b:s11+s6], $0x40, s18, s6, $0xb8;
	[tilespmem:$0x18E00] =	vst v63  }
0x28: {  	s19 =	smul.u32 $0x5000, s21;
	_ =	swait.ge [sflag:s13], $0x8000  }
0x29: {  	[sflag:s13] =	ssyncset.done $0x0  }
0x2a: {  	s20 =	simm.s32 $0x3;
	s19 =	sadd.s32 s22, s19;
	[sflag:s13] =	ssyncadd.s32 $0xFFFF8000  }
0x2b: {  	[hbm4b:s19+s2] =	stream.linear.scatter [tilespmem:s15], [sflag:$0x4], $0x8000, $0x38;
	[tilespmem:$0x18E00] =	vst v63  }
0x2c: {  	_ =	swait.ge [sflag:s20], $0x8000  }
0x2d: {  	[sflag:s20] =	ssyncset.done $0x0  }
0x2e: {  	s23 =	smul.u32 $0x28000, s21;
	s21 =	simm.s32 $0x800;
	[sflag:s20] =	ssyncadd.s32 $0xFFFF8000  }
0x2f: {  	[tilespmem:s12], [sflag:$0x1] =	stream.indirect.gather [hbm4b:s11+s6], $0x40, s21, s6, $0xb8;
	[tilespmem:$0x18E00] =	vst v63  }
0x30: {  	s23 =	sshrl.u32 s23, $0x3;
	_ =	swait.ge [sflag:s13], $0x8000  }
0x31: {  	s29 =	sadd.s32 s22, s23;
	[sflag:s13] =	ssyncset.done $0x0  }
0x32: {  	s23 =	simm.s32 $0x4;
	s22 =	sadd.s32 $0x1000, s29;
	[sflag:s13] =	ssyncadd.s32 $0xFFFF8000  }
0x33: {  	[hbm4b:s22+s2] =	stream.linear.scatter [tilespmem:s10], [sflag:$0x2], $0x8000, $0x38;
	[tilespmem:$0x18E00] =	vst v63  }
0x34: {  	_ =	swait.ge [sflag:s23], $0x8000  }
0x35: {  	[sflag:s23] =	ssyncset.done $0x0  }
0x36: {  	s24 =	simm.s32 $0xA00;
	[sflag:s23] =	ssyncadd.s32 $0xFFFF8000  }
0x37: {  	[tilespmem:s15], [sflag:$0x1] =	stream.indirect.gather [hbm4b:s11+s6], $0x40, s24, s6, $0xb8;
	[tilespmem:$0x18E00] =	vst v63  }
0x38: {  	_ =	swait.ge [sflag:s13], $0x8000  }
0x39: {  	[sflag:s13] =	ssyncset.done $0x0  }
0x3a: {  	s25 =	sadd.s32 $0x2000, s29;
	[sflag:s13] =	ssyncadd.s32 $0xFFFF8000  }
0x3b: {  	[hbm4b:s25+s2] =	stream.linear.scatter [tilespmem:s12], [sflag:$0x3], $0x8000, $0x38;
	[tilespmem:$0x18E00] =	vst v63  }
0x3c: {  	_ =	swait.ge [sflag:s16], $0x8000  }
0x3d: {  	[sflag:s16] =	ssyncset.done $0x0  }
0x3e: {  	s26 =	simm.s32 $0xC00;
	[sflag:s16] =	ssyncadd.s32 $0xFFFF8000  }
0x3f: {  	[tilespmem:s10], [sflag:$0x1] =	stream.indirect.gather [hbm4b:s11+s6], $0x40, s26, s6, $0xb8;
	[tilespmem:$0x18E00] =	vst v63  }
0x40: {  	_ =	swait.ge [sflag:s13], $0x8000  }
0x41: {  	[sflag:s13] =	ssyncset.done $0x0  }
0x42: {  	s28 =	sadd.s32 $0x3000, s29;
	[sflag:s13] =	ssyncadd.s32 $0xFFFF8000  }
0x43: {  	[hbm4b:s28+s2] =	stream.linear.scatter [tilespmem:s15], [sflag:$0x4], $0x8000, $0x38;
	[tilespmem:$0x18E00] =	vst v63  }
0x44: {  	_ =	swait.ge [sflag:s13], $0x8000  }
0x45: {  	s30 =	ssub.s32 $0x2, s30;
	[sflag:s13] =	ssyncset.done $0x0  }
0x46: {  	s31 =	sshrl.u32 s30, $0x1;
	s29 =	sadd.s32 $0x4000, s29;
	[sflag:s13] =	ssyncadd.s32 $0xFFFF8000  }
0x47: {  	[hbm4b:s29+s2] =	stream.linear.scatter [tilespmem:s10], [sflag:$0x2], $0x8000, $0x38;
	[tilespmem:$0x18E00] =	vst v63  }
0x48: {  	s30 =	ssub.s32 s30, s31;
	_ =	swait.ge [sflag:s20], $0x8000  }
0x49: {  	s30 =	smax.u32 s30, $0x1;
	[sflag:s20] =	ssyncset.done $0x0  }
0x4a: {  	p0 =	sne.s32 s30, $0x1;
	[sflag:s20] =	ssyncadd.s32 $0xFFFF8000  }
.Ltmp0:
0x4b: {  	_ =	swait.ge [sflag:s23], $0x8000;
	(pc) =	sbr.rel @!p0 .LBB2_2-.Ltmp0, $4  }
0x4c: {  	[sflag:s23] =	ssyncset.done $0x0  }
0x4d: {  	[sflag:s23] =	ssyncadd.s32 $0xFFFF8000  }
0x4e: {  	_ =	swait.ge [sflag:s16], $0x8000  }
0x4f: {  	s30 =	sadd.s32 $0xFFFFFFFF, s30;
	[sflag:s16] =	ssyncset.done $0x0  }
.LBB2_1:
0x50: {  	p0 =	sne.s32 s30, $0x1;
	s30 =	sadd.s32 $0xFFFFFFFF, s30;
	[sflag:s16] =	ssyncadd.s32 $0xFFFF8000  }
0x51: {  	[tilespmem:s2], [sflag:$0x5] =	stream.linear.gather [hbm4b:s3+s2], $0x200, $0x38;
	[tilespmem:$0x18E00] =	vst v63  }
0x52: {  	_ =	swait.ge [sflag:s4], $0x200  }
0x53: {  	[sflag:s4] =	ssyncset.done $0x0  }
0x54: {  	[sflag:s4] =	ssyncadd.s32 $0xFFFFFE00  }
0x55: {  	[tilespmem:s6], [sflag:$0x5] =	stream.linear.gather [hbm4b:s5+s2], $0x200, $0x38;
	[tilespmem:$0x18E00] =	vst v63  }
0x56: {  	_ =	swait.ge [sflag:s4], $0x200  }
0x57: {  	[sflag:s4] =	ssyncset.done $0x0  }
0x58: {  	[sflag:s4] =	ssyncadd.s32 $0xFFFFFE00  }
0x59: {  	[tilespmem:s8], [sflag:$0x5] =	stream.linear.gather [hbm4b:s7+s2], $0xA00, $0x38;
	[tilespmem:$0x18E00] =	vst v63  }
0x5a: {  	_ =	swait.ge [sflag:s4], $0xA00  }
0x5b: {  	[sflag:s4] =	ssyncset.done $0x0  }
0x5c: {  	[sflag:s4] =	ssyncadd.s32 $0xFFFFF600  }
0x5d: {  	[tilespmem:s10], [sflag:$0x1] =	stream.indirect.gather [hbm4b:s9+s6], $0x40, s2, s6, $0xb8;
	[tilespmem:$0x18E00] =	vst v63  }
0x5e: {  	_ = 	snop  }
0x5f: {  	[tilespmem:s12], [sflag:$0x1] =	stream.indirect.gather [hbm4b:s11+s6], $0x40, s6, s6, $0xb8;
	[tilespmem:$0x18E00] =	vst v63  }
0x60: {  	_ =	swait.ge [sflag:s13], $0x8000  }
0x61: {  	[sflag:s13] =	ssyncset.done $0x0  }
0x62: {  	[sflag:s13] =	ssyncadd.s32 $0xFFFF8000  }
0x63: {  	[hbm4b:s14+s2] =	stream.linear.scatter [tilespmem:s10], [sflag:$0x2], $0x8000, $0x38;
	[tilespmem:$0x18E00] =	vst v63  }
0x64: {  	_ = 	snop  }
0x65: {  	[tilespmem:s15], [sflag:$0x1] =	stream.indirect.gather [hbm4b:s11+s6], $0x40, s8, s6, $0xb8;
	[tilespmem:$0x18E00] =	vst v63  }
0x66: {  	_ =	swait.ge [sflag:s13], $0x8000  }
0x67: {  	[sflag:s13] =	ssyncset.done $0x0  }
0x68: {  	[sflag:s13] =	ssyncadd.s32 $0xFFFF8000  }
0x69: {  	[hbm4b:s17+s2] =	stream.linear.scatter [tilespmem:s12], [sflag:$0x3], $0x8000, $0x38;
	[tilespmem:$0x18E00] =	vst v63  }
0x6a: {  	_ =	swait.ge [sflag:s16], $0x8000  }
0x6b: {  	[sflag:s16] =	ssyncset.done $0x0  }
0x6c: {  	[sflag:s16] =	ssyncadd.s32 $0xFFFF8000  }
0x6d: {  	[tilespmem:s10], [sflag:$0x1] =	stream.indirect.gather [hbm4b:s11+s6], $0x40, s18, s6, $0xb8;
	[tilespmem:$0x18E00] =	vst v63  }
0x6e: {  	_ =	swait.ge [sflag:s13], $0x8000  }
0x6f: {  	[sflag:s13] =	ssyncset.done $0x0  }
0x70: {  	[sflag:s13] =	ssyncadd.s32 $0xFFFF8000  }
0x71: {  	[hbm4b:s19+s2] =	stream.linear.scatter [tilespmem:s15], [sflag:$0x4], $0x8000, $0x38;
	[tilespmem:$0x18E00] =	vst v63  }
0x72: {  	_ =	swait.ge [sflag:s20], $0x8000  }
0x73: {  	[sflag:s20] =	ssyncset.done $0x0  }
0x74: {  	[sflag:s20] =	ssyncadd.s32 $0xFFFF8000  }
0x75: {  	[tilespmem:s12], [sflag:$0x1] =	stream.indirect.gather [hbm4b:s11+s6], $0x40, s21, s6, $0xb8;
	[tilespmem:$0x18E00] =	vst v63  }
0x76: {  	_ =	swait.ge [sflag:s13], $0x8000  }
0x77: {  	[sflag:s13] =	ssyncset.done $0x0  }
0x78: {  	[sflag:s13] =	ssyncadd.s32 $0xFFFF8000  }
0x79: {  	[hbm4b:s22+s2] =	stream.linear.scatter [tilespmem:s10], [sflag:$0x2], $0x8000, $0x38;
	[tilespmem:$0x18E00] =	vst v63  }
0x7a: {  	_ =	swait.ge [sflag:s23], $0x8000  }
0x7b: {  	[sflag:s23] =	ssyncset.done $0x0  }
0x7c: {  	[sflag:s23] =	ssyncadd.s32 $0xFFFF8000  }
0x7d: {  	[tilespmem:s15], [sflag:$0x1] =	stream.indirect.gather [hbm4b:s11+s6], $0x40, s24, s6, $0xb8;
	[tilespmem:$0x18E00] =	vst v63  }
0x7e: {  	_ =	swait.ge [sflag:s13], $0x8000  }
0x7f: {  	[sflag:s13] =	ssyncset.done $0x0  }
0x80: {  	[sflag:s13] =	ssyncadd.s32 $0xFFFF8000  }
0x81: {  	[hbm4b:s25+s2] =	stream.linear.scatter [tilespmem:s12], [sflag:$0x3], $0x8000, $0x38;
	[tilespmem:$0x18E00] =	vst v63  }
0x82: {  	_ =	swait.ge [sflag:s16], $0x8000  }
0x83: {  	[sflag:s16] =	ssyncset.done $0x0  }
0x84: {  	[sflag:s16] =	ssyncadd.s32 $0xFFFF8000  }
0x85: {  	[tilespmem:s10], [sflag:$0x1] =	stream.indirect.gather [hbm4b:s11+s6], $0x40, s26, s6, $0xb8;
	[tilespmem:$0x18E00] =	vst v63  }
0x86: {  	_ =	swait.ge [sflag:s13], $0x8000  }
0x87: {  	[sflag:s13] =	ssyncset.done $0x0  }
0x88: {  	[sflag:s13] =	ssyncadd.s32 $0xFFFF8000  }
0x89: {  	[hbm4b:s28+s2] =	stream.linear.scatter [tilespmem:s15], [sflag:$0x4], $0x8000, $0x38;
	[tilespmem:$0x18E00] =	vst v63  }
0x8a: {  	_ =	swait.ge [sflag:s13], $0x8000  }
0x8b: {  	[sflag:s13] =	ssyncset.done $0x0  }
0x8c: {  	[sflag:s13] =	ssyncadd.s32 $0xFFFF8000  }
0x8d: {  	[hbm4b:s29+s2] =	stream.linear.scatter [tilespmem:s10], [sflag:$0x2], $0x8000, $0x38;
	[tilespmem:$0x18E00] =	vst v63  }
0x8e: {  	_ =	swait.ge [sflag:s20], $0x8000  }
0x8f: {  	[sflag:s20] =	ssyncset.done $0x0  }
0x90: {  	[sflag:s20] =	ssyncadd.s32 $0xFFFF8000  }
.Ltmp1:
0x91: {  	_ =	swait.ge [sflag:s23], $0x8000;
	(pc) =	sbr.rel @p0 .LBB2_1-.Ltmp1, $4  }
0x92: {  	[sflag:s23] =	ssyncset.done $0x0  }
0x93: {  	[sflag:s23] =	ssyncadd.s32 $0xFFFF8000  }
0x94: {  	_ =	swait.ge [sflag:s16], $0x8000  }
0x95: {  	[sflag:s16] =	ssyncset.done $0x0  }
.LBB2_2:
0x96: {  	[sflag:s16] =	ssyncadd.s32 $0xFFFF8000  }
0x97: {  	_ =	sfence.sel $0x180000  }
0x98: {  	[bflag:$0x0] =	sbarrier.arrive $0xFFFF  }
0x99: {  	p0 =	sne.s32 s0, $0x0;
	_ =	strace $0x90000047  }
0x9a: {  	s0 =	sadd.s32 @!p0 $0x100000, s1;
	[bflag:$0x2] =	sbarrier.arrive $0xFFFF  }
0x9b: {  	[sflag:s0] =	ssyncadd.tile.s32 @!p0 $0x1;
	_ =	shalt  }
.Lfunc_end2:
_tile_overlayer_lowered:
.L_overlay_start_2:
0x9c: {  	(tag) =	ssettag $0x2  }
0x9d: {  	s0 =	rddreg [dreg:$0x0];
	s2 =	stileid.u32  }
0x9e: {  	s1 =	rddreg [dreg:$0x1];
	p0 =	sne.s32 s2, $0x0  }
0x9f: {  	s3 =	rddreg [dreg:$0x2];
	[bflag:$0x3] =	sbarrier.arrive $0xFFFF;
	s2 =	simm.s32 @!p0 $0x1C05  }
0xa0: {  	[timem:s3], [sflag:s2] =	dma.local @!p0 [hbm:s0], s1  }
0xa1: {  	s0 =	simm.s32 @!p0 $0x5  }
0xa2: {  	_ =	swait.ge @!p0 [sflag:s0], s1  }
0xa3: {  	s1 =	ssub.s32 @!p0 $0x0, s1;
	[sflag:s0] =	ssyncset.done @!p0 $0x0  }
0xa4: {  	[sflag:s0] =	ssyncadd.s32 @!p0 s1  }
0xa5: {  	[bflag:$0x3] =	sbarrier.arrive $0xFFFF  }
0xa6: {  	_ =	shalt  }

</sc_bundles>
